<compile_context>
chip_gen: v7x
topology: tpu7x:2x2x1
jax: 0.10.2.dev20260603
libtpu: 0.0.44.dev20260713+nightly
codegen_flags: <defaults>
</compile_context>

<pallas_src>
import functools

import jax
import jax.numpy as jnp
from jax import lax
from jax.experimental import pallas as pl
from jax.experimental.pallas import tpu as pltpu
from jax.experimental.pallas import tpu_sc as plsc


def _pos_emb_sc(pe, idx_t):
    n = idx_t.shape[0] // 2
    d = pe.shape[1]

    mesh = plsc.VectorSubcoreMesh(core_axis_name="c", subcore_axis_name="s", num_cores=1)

    @functools.partial(
        pl.kernel,
        mesh=mesh,
        out_type=jax.ShapeDtypeStruct((n, 2 * d), jnp.float32),
        scratch_types=[
            pltpu.VMEM((n // 2,), jnp.int32),
            pltpu.VMEM((n // 2, d), jnp.float32),
            pltpu.SemaphoreType.DMA,
        ],
    )
    def gather_kernel(pe_hbm, idx_hbm, out_hbm, idx_v, rows_v, sem):
        sid = lax.axis_index("s")
        m = n // 2

        def do_part(w):
            pltpu.sync_copy(idx_hbm.at[pl.ds(w * m, m)], idx_v)
            pltpu.async_copy(pe_hbm.at[idx_v], rows_v, sem).wait()
            pltpu.sync_copy(
                rows_v,
                out_hbm.at[pl.ds((w % 2) * m, m), pl.ds((w // 2) * d, d)],
            )

        for _w in range(4):
            @pl.when(sid == _w)
            def _(w=_w):
                do_part(w)

    return gather_kernel(pe, idx_t)


def _add_body(x_ref, p_ref, o_ref):
    o_ref[...] = x_ref[...] + p_ref[...]


def kernel(x, positions, pe):
    B, C, H, W = x.shape
    idx_t = positions.T.reshape(-1).astype(jnp.int32)
    pos_emb = _pos_emb_sc(pe, idx_t)

    rows_total = B * C
    row_blk = 512
    x3 = x.reshape(rows_total, H, W)

    out = pl.pallas_call(
        _add_body,
        grid=(rows_total // row_blk,),
        in_specs=[
            pl.BlockSpec((row_blk, H, W), lambda i: (i, 0, 0)),
            pl.BlockSpec((H, W), lambda i: (0, 0)),
        ],
        out_specs=pl.BlockSpec((row_blk, H, W), lambda i: (i, 0, 0)),
        out_shape=jax.ShapeDtypeStruct((rows_total, H, W), x.dtype),
        compiler_params=pltpu.CompilerParams(
            dimension_semantics=("parallel",),
        ),
    )(x3, pos_emb)

    return out.reshape(B, C, H, W)

# --- scband reference (transcript-rebuilt; emitter-appended) ---
"""Pipeline reference for scband-positional-embedding2-d-57939108823368 (READ-ONLY COPY).

The authoritative reference and input builder live on the scoring server;
editing this copy changes nothing except your own understanding.
"""

import jax, jax.numpy as jnp
import numpy as np

MODEL_DIM = 256
MAX_WH = 1200
TEMP = 10000.0


def _make_pe():
    dim_pe = MODEL_DIM // 2
    positions = jnp.arange(MAX_WH, dtype=jnp.float32)[:, None]
    div_term = jnp.exp(jnp.arange(0, dim_pe, 2, dtype=jnp.float32) * (-jnp.log(jnp.float32(TEMP)) / dim_pe))
    pos = positions * div_term
    pe = jnp.zeros((MAX_WH, dim_pe), dtype=jnp.float32)
    pe = pe.at[:, 0::2].set(jnp.sin(pos))
    pe = pe.at[:, 1::2].set(jnp.cos(pos))
    return pe


def setup_inputs(seed: int = 0) -> dict:
    key = jax.random.key(seed)
    k1, k2 = jax.random.split(key)
    x = jax.random.normal(k1, (16, 256, 16, 256), dtype=jnp.float32)
    positions = jax.random.randint(k2, (16, 2), 0, MAX_WH, dtype=jnp.int32)
    pe = _make_pe()
    return {"x": x, "positions": positions, "pe": pe}


def reference(x, positions, pe):
    # Gather row/col sinusoidal embeddings from the precomputed table.
    row_pos_emb = jnp.take(pe, positions[:, 0], axis=0)  # (B, model_dim//2)
    col_pos_emb = jnp.take(pe, positions[:, 1], axis=0)  # (B, model_dim//2)
    pos_emb = jnp.concatenate([row_pos_emb, col_pos_emb], axis=-1)  # (B, model_dim)
    # Faithful to the torch module: x (B, C, H, W) + pos_emb (B, C) via numpy broadcasting
    # (aligns pos_emb against the trailing (H, W) dims; shapes chosen so H == B, W == C).
    return x + pos_emb

if __name__ == "__main__":
    import jax
    _d = setup_inputs()
    print(jax.jit(kernel)(*tuple(_d.values())))

</pallas_src>

<mosaic_0001>
#map = affine_map<(d0, d1) -> (0, 0)>
#map1 = affine_map<(d0, d1) -> (0)>
module attributes {stable_mosaic.version = 14 : i64} {
  func.func @gather_kernel(%arg0: i32, %arg1: i32, %arg2: memref<1200x128xf32, #tpu.memory_space<hbm>>, %arg3: memref<32xi32, #tpu.memory_space<hbm>>, %arg4: memref<16x256xf32, #tpu.memory_space<hbm>>, %arg5: memref<8xi32, #tpu.memory_space<vmem>>, %arg6: memref<8x128xf32, #tpu.memory_space<vmem>>, %arg7: memref<!tpu.dma_semaphore, #tpu.memory_space<semaphore_mem>>) attributes {dimension_semantics = [#tpu.dimension_semantics<core_parallel>, #tpu.dimension_semantics<subcore_parallel>], iteration_bounds = array<i64: 1, 16>, scalar_prefetch = 0 : i64, scratch_operands = 3 : i64, tpu.core_type = #tpu.core_type<sc_vector_subcore>, window_params = [{transform_indices = #map}, {transform_indices = #map1}, {transform_indices = #map}]} {
    %eq3A = arith.constant 0 : i32
    %eq3A_0 = arith.cmpi eq, %arg1, %eq3A : i32
    %convert_element_type3A = arith.extui %eq3A_0 : i1 to i32
    %cond3A = arith.constant 0 : i32
    %cond3A_1 = arith.cmpi ne, %convert_element_type3A, %cond3A : i32
    scf.if %cond3A_1 {
      "tpu.region"() ({
        %run_scoped3A = tpu.sem_alloc : memref<!tpu.dma_semaphore, #tpu.memory_space<semaphore_mem>>
        %dma_start3A_21 = arith.constant 0 : i32
        %dma_start3A_22 = tpu.memref_slice %arg3[%dma_start3A_21] : memref<32xi32, #tpu.memory_space<hbm>> -> memref<8xi32, #tpu.memory_space<hbm>>
        %dma_start3A_23 = arith.constant 0 : i32
        %dma_start3A_24 = tpu.memref_slice %arg3[%dma_start3A_23] : memref<32xi32, #tpu.memory_space<hbm>> -> memref<8xi32, #tpu.memory_space<hbm>>
        tpu.enqueue_dma source(%dma_start3A_24 : memref<8xi32, #tpu.memory_space<hbm>>) target(%arg5 : memref<8xi32, #tpu.memory_space<vmem>>) target_semaphore(%run_scoped3A : memref<!tpu.dma_semaphore, #tpu.memory_space<semaphore_mem>>)
        %dma_wait3A_25 = arith.constant 0 : i32
        %dma_wait3A_26 = tpu.memref_slice %arg3[%dma_wait3A_25] : memref<32xi32, #tpu.memory_space<hbm>> -> memref<8xi32, #tpu.memory_space<hbm>>
        %dma_wait3A_27 = arith.constant 0 : i32
        %dma_wait3A_28 = tpu.memref_slice %arg3[%dma_wait3A_27] : memref<32xi32, #tpu.memory_space<hbm>> -> memref<8xi32, #tpu.memory_space<hbm>>
        tpu.wait_dma2 semaphore(%run_scoped3A : memref<!tpu.dma_semaphore, #tpu.memory_space<semaphore_mem>>) src(%dma_wait3A_28 : memref<8xi32, #tpu.memory_space<hbm>>) dst(%arg5 : memref<8xi32, #tpu.memory_space<vmem>>)
        tpu.yield
      }) : () -> ()
      %dma_start3A = arith.constant 0 : i32
      %dma_start3A_17 = arith.constant 0 : i32
      %dma_start3A_18 = tpu.memref_slice %arg2[%dma_start3A, %dma_start3A_17] : memref<1200x128xf32, #tpu.memory_space<hbm>> -> memref<1200x128xf32, #tpu.memory_space<hbm>>
      tpu.enqueue_indirect_dma source(%dma_start3A_18 : memref<1200x128xf32, #tpu.memory_space<hbm>>) target(%arg6 : memref<8x128xf32, #tpu.memory_space<vmem>>) offsets(%arg5 : memref<8xi32, #tpu.memory_space<vmem>>) semaphore(%arg7 : memref<!tpu.dma_semaphore, #tpu.memory_space<semaphore_mem>>)
      %dma_wait3A = arith.constant 0 : i32
      %dma_wait3A_19 = arith.constant 0 : i32
      %dma_wait3A_20 = tpu.memref_slice %arg2[%dma_wait3A, %dma_wait3A_19] : memref<1200x128xf32, #tpu.memory_space<hbm>> -> memref<1200x128xf32, #tpu.memory_space<hbm>>
      tpu.wait_indirect_dma semaphore(%arg7 : memref<!tpu.dma_semaphore, #tpu.memory_space<semaphore_mem>>) src(%dma_wait3A_20 : memref<1200x128xf32, #tpu.memory_space<hbm>>) dst(%arg6 : memref<8x128xf32, #tpu.memory_space<vmem>>)
      "tpu.region"() ({
        %run_scoped3A = tpu.sem_alloc : memref<!tpu.dma_semaphore, #tpu.memory_space<semaphore_mem>>
        %dma_start3A_21 = arith.constant 0 : i32
        %dma_start3A_22 = arith.constant 0 : i32
        %dma_start3A_23 = tpu.memref_slice %arg4[%dma_start3A_21, %dma_start3A_22] : memref<16x256xf32, #tpu.memory_space<hbm>> -> memref<8x128xf32, #tpu.memory_space<hbm>>
        %dma_start3A_24 = arith.constant 0 : i32
        %dma_start3A_25 = arith.constant 0 : i32
        %dma_start3A_26 = tpu.memref_slice %arg4[%dma_start3A_24, %dma_start3A_25] : memref<16x256xf32, #tpu.memory_space<hbm>> -> memref<8x128xf32, #tpu.memory_space<hbm>>
        tpu.enqueue_dma source(%arg6 : memref<8x128xf32, #tpu.memory_space<vmem>>) target(%dma_start3A_26 : memref<8x128xf32, #tpu.memory_space<hbm>>) target_semaphore(%run_scoped3A : memref<!tpu.dma_semaphore, #tpu.memory_space<semaphore_mem>>)
        %dma_wait3A_27 = arith.constant 0 : i32
        %dma_wait3A_28 = arith.constant 0 : i32
        %dma_wait3A_29 = tpu.memref_slice %arg4[%dma_wait3A_27, %dma_wait3A_28] : memref<16x256xf32, #tpu.memory_space<hbm>> -> memref<8x128xf32, #tpu.memory_space<hbm>>
        %dma_wait3A_30 = arith.constant 0 : i32
        %dma_wait3A_31 = arith.constant 0 : i32
        %dma_wait3A_32 = tpu.memref_slice %arg4[%dma_wait3A_30, %dma_wait3A_31] : memref<16x256xf32, #tpu.memory_space<hbm>> -> memref<8x128xf32, #tpu.memory_space<hbm>>
        tpu.wait_dma2 semaphore(%run_scoped3A : memref<!tpu.dma_semaphore, #tpu.memory_space<semaphore_mem>>) src(%arg6 : memref<8x128xf32, #tpu.memory_space<vmem>>) dst(%dma_wait3A_32 : memref<8x128xf32, #tpu.memory_space<hbm>>)
        tpu.yield
      }) : () -> ()
    } else {
    }
    %eq3A_2 = arith.constant 1 : i32
    %eq3A_3 = arith.cmpi eq, %arg1, %eq3A_2 : i32
    %convert_element_type3A_4 = arith.extui %eq3A_3 : i1 to i32
    %cond3A_5 = arith.constant 0 : i32
    %cond3A_6 = arith.cmpi ne, %convert_element_type3A_4, %cond3A_5 : i32
    scf.if %cond3A_6 {
      "tpu.region"() ({
        %run_scoped3A = tpu.sem_alloc : memref<!tpu.dma_semaphore, #tpu.memory_space<semaphore_mem>>
        %dma_start3A_21 = arith.constant 8 : i32
        %dma_start3A_22 = tpu.memref_slice %arg3[%dma_start3A_21] : memref<32xi32, #tpu.memory_space<hbm>> -> memref<8xi32, #tpu.memory_space<hbm>>
        %dma_start3A_23 = arith.constant 8 : i32
        %dma_start3A_24 = tpu.memref_slice %arg3[%dma_start3A_23] : memref<32xi32, #tpu.memory_space<hbm>> -> memref<8xi32, #tpu.memory_space<hbm>>
        tpu.enqueue_dma source(%dma_start3A_24 : memref<8xi32, #tpu.memory_space<hbm>>) target(%arg5 : memref<8xi32, #tpu.memory_space<vmem>>) target_semaphore(%run_scoped3A : memref<!tpu.dma_semaphore, #tpu.memory_space<semaphore_mem>>)
        %dma_wait3A_25 = arith.constant 8 : i32
        %dma_wait3A_26 = tpu.memref_slice %arg3[%dma_wait3A_25] : memref<32xi32, #tpu.memory_space<hbm>> -> memref<8xi32, #tpu.memory_space<hbm>>
        %dma_wait3A_27 = arith.constant 8 : i32
        %dma_wait3A_28 = tpu.memref_slice %arg3[%dma_wait3A_27] : memref<32xi32, #tpu.memory_space<hbm>> -> memref<8xi32, #tpu.memory_space<hbm>>
        tpu.wait_dma2 semaphore(%run_scoped3A : memref<!tpu.dma_semaphore, #tpu.memory_space<semaphore_mem>>) src(%dma_wait3A_28 : memref<8xi32, #tpu.memory_space<hbm>>) dst(%arg5 : memref<8xi32, #tpu.memory_space<vmem>>)
        tpu.yield
      }) : () -> ()
      %dma_start3A = arith.constant 0 : i32
      %dma_start3A_17 = arith.constant 0 : i32
      %dma_start3A_18 = tpu.memref_slice %arg2[%dma_start3A, %dma_start3A_17] : memref<1200x128xf32, #tpu.memory_space<hbm>> -> memref<1200x128xf32, #tpu.memory_space<hbm>>
      tpu.enqueue_indirect_dma source(%dma_start3A_18 : memref<1200x128xf32, #tpu.memory_space<hbm>>) target(%arg6 : memref<8x128xf32, #tpu.memory_space<vmem>>) offsets(%arg5 : memref<8xi32, #tpu.memory_space<vmem>>) semaphore(%arg7 : memref<!tpu.dma_semaphore, #tpu.memory_space<semaphore_mem>>)
      %dma_wait3A = arith.constant 0 : i32
      %dma_wait3A_19 = arith.constant 0 : i32
      %dma_wait3A_20 = tpu.memref_slice %arg2[%dma_wait3A, %dma_wait3A_19] : memref<1200x128xf32, #tpu.memory_space<hbm>> -> memref<1200x128xf32, #tpu.memory_space<hbm>>
      tpu.wait_indirect_dma semaphore(%arg7 : memref<!tpu.dma_semaphore, #tpu.memory_space<semaphore_mem>>) src(%dma_wait3A_20 : memref<1200x128xf32, #tpu.memory_space<hbm>>) dst(%arg6 : memref<8x128xf32, #tpu.memory_space<vmem>>)
      "tpu.region"() ({
        %run_scoped3A = tpu.sem_alloc : memref<!tpu.dma_semaphore, #tpu.memory_space<semaphore_mem>>
        %dma_start3A_21 = arith.constant 8 : i32
        %dma_start3A_22 = arith.constant 0 : i32
        %dma_start3A_23 = tpu.memref_slice %arg4[%dma_start3A_21, %dma_start3A_22] : memref<16x256xf32, #tpu.memory_space<hbm>> -> memref<8x128xf32, #tpu.memory_space<hbm>>
        %dma_start3A_24 = arith.constant 8 : i32
        %dma_start3A_25 = arith.constant 0 : i32
        %dma_start3A_26 = tpu.memref_slice %arg4[%dma_start3A_24, %dma_start3A_25] : memref<16x256xf32, #tpu.memory_space<hbm>> -> memref<8x128xf32, #tpu.memory_space<hbm>>
        tpu.enqueue_dma source(%arg6 : memref<8x128xf32, #tpu.memory_space<vmem>>) target(%dma_start3A_26 : memref<8x128xf32, #tpu.memory_space<hbm>>) target_semaphore(%run_scoped3A : memref<!tpu.dma_semaphore, #tpu.memory_space<semaphore_mem>>)
        %dma_wait3A_27 = arith.constant 8 : i32
        %dma_wait3A_28 = arith.constant 0 : i32
        %dma_wait3A_29 = tpu.memref_slice %arg4[%dma_wait3A_27, %dma_wait3A_28] : memref<16x256xf32, #tpu.memory_space<hbm>> -> memref<8x128xf32, #tpu.memory_space<hbm>>
        %dma_wait3A_30 = arith.constant 8 : i32
        %dma_wait3A_31 = arith.constant 0 : i32
        %dma_wait3A_32 = tpu.memref_slice %arg4[%dma_wait3A_30, %dma_wait3A_31] : memref<16x256xf32, #tpu.memory_space<hbm>> -> memref<8x128xf32, #tpu.memory_space<hbm>>
        tpu.wait_dma2 semaphore(%run_scoped3A : memref<!tpu.dma_semaphore, #tpu.memory_space<semaphore_mem>>) src(%arg6 : memref<8x128xf32, #tpu.memory_space<vmem>>) dst(%dma_wait3A_32 : memref<8x128xf32, #tpu.memory_space<hbm>>)
        tpu.yield
      }) : () -> ()
    } else {
    }
    %eq3A_7 = arith.constant 2 : i32
    %eq3A_8 = arith.cmpi eq, %arg1, %eq3A_7 : i32
    %convert_element_type3A_9 = arith.extui %eq3A_8 : i1 to i32
    %cond3A_10 = arith.constant 0 : i32
    %cond3A_11 = arith.cmpi ne, %convert_element_type3A_9, %cond3A_10 : i32
    scf.if %cond3A_11 {
      "tpu.region"() ({
        %run_scoped3A = tpu.sem_alloc : memref<!tpu.dma_semaphore, #tpu.memory_space<semaphore_mem>>
        %dma_start3A_21 = arith.constant 16 : i32
        %dma_start3A_22 = tpu.memref_slice %arg3[%dma_start3A_21] : memref<32xi32, #tpu.memory_space<hbm>> -> memref<8xi32, #tpu.memory_space<hbm>>
        %dma_start3A_23 = arith.constant 16 : i32
        %dma_start3A_24 = tpu.memref_slice %arg3[%dma_start3A_23] : memref<32xi32, #tpu.memory_space<hbm>> -> memref<8xi32, #tpu.memory_space<hbm>>
        tpu.enqueue_dma source(%dma_start3A_24 : memref<8xi32, #tpu.memory_space<hbm>>) target(%arg5 : memref<8xi32, #tpu.memory_space<vmem>>) target_semaphore(%run_scoped3A : memref<!tpu.dma_semaphore, #tpu.memory_space<semaphore_mem>>)
        %dma_wait3A_25 = arith.constant 16 : i32
        %dma_wait3A_26 = tpu.memref_slice %arg3[%dma_wait3A_25] : memref<32xi32, #tpu.memory_space<hbm>> -> memref<8xi32, #tpu.memory_space<hbm>>
        %dma_wait3A_27 = arith.constant 16 : i32
        %dma_wait3A_28 = tpu.memref_slice %arg3[%dma_wait3A_27] : memref<32xi32, #tpu.memory_space<hbm>> -> memref<8xi32, #tpu.memory_space<hbm>>
        tpu.wait_dma2 semaphore(%run_scoped3A : memref<!tpu.dma_semaphore, #tpu.memory_space<semaphore_mem>>) src(%dma_wait3A_28 : memref<8xi32, #tpu.memory_space<hbm>>) dst(%arg5 : memref<8xi32, #tpu.memory_space<vmem>>)
        tpu.yield
      }) : () -> ()
      %dma_start3A = arith.constant 0 : i32
      %dma_start3A_17 = arith.constant 0 : i32
      %dma_start3A_18 = tpu.memref_slice %arg2[%dma_start3A, %dma_start3A_17] : memref<1200x128xf32, #tpu.memory_space<hbm>> -> memref<1200x128xf32, #tpu.memory_space<hbm>>
      tpu.enqueue_indirect_dma source(%dma_start3A_18 : memref<1200x128xf32, #tpu.memory_space<hbm>>) target(%arg6 : memref<8x128xf32, #tpu.memory_space<vmem>>) offsets(%arg5 : memref<8xi32, #tpu.memory_space<vmem>>) semaphore(%arg7 : memref<!tpu.dma_semaphore, #tpu.memory_space<semaphore_mem>>)
      %dma_wait3A = arith.constant 0 : i32
      %dma_wait3A_19 = arith.constant 0 : i32
      %dma_wait3A_20 = tpu.memref_slice %arg2[%dma_wait3A, %dma_wait3A_19] : memref<1200x128xf32, #tpu.memory_space<hbm>> -> memref<1200x128xf32, #tpu.memory_space<hbm>>
      tpu.wait_indirect_dma semaphore(%arg7 : memref<!tpu.dma_semaphore, #tpu.memory_space<semaphore_mem>>) src(%dma_wait3A_20 : memref<1200x128xf32, #tpu.memory_space<hbm>>) dst(%arg6 : memref<8x128xf32, #tpu.memory_space<vmem>>)
      "tpu.region"() ({
        %run_scoped3A = tpu.sem_alloc : memref<!tpu.dma_semaphore, #tpu.memory_space<semaphore_mem>>
        %dma_start3A_21 = arith.constant 0 : i32
        %dma_start3A_22 = arith.constant 128 : i32
        %dma_start3A_23 = tpu.memref_slice %arg4[%dma_start3A_21, %dma_start3A_22] : memref<16x256xf32, #tpu.memory_space<hbm>> -> memref<8x128xf32, #tpu.memory_space<hbm>>
        %dma_start3A_24 = arith.constant 0 : i32
        %dma_start3A_25 = arith.constant 128 : i32
        %dma_start3A_26 = tpu.memref_slice %arg4[%dma_start3A_24, %dma_start3A_25] : memref<16x256xf32, #tpu.memory_space<hbm>> -> memref<8x128xf32, #tpu.memory_space<hbm>>
        tpu.enqueue_dma source(%arg6 : memref<8x128xf32, #tpu.memory_space<vmem>>) target(%dma_start3A_26 : memref<8x128xf32, #tpu.memory_space<hbm>>) target_semaphore(%run_scoped3A : memref<!tpu.dma_semaphore, #tpu.memory_space<semaphore_mem>>)
        %dma_wait3A_27 = arith.constant 0 : i32
        %dma_wait3A_28 = arith.constant 128 : i32
        %dma_wait3A_29 = tpu.memref_slice %arg4[%dma_wait3A_27, %dma_wait3A_28] : memref<16x256xf32, #tpu.memory_space<hbm>> -> memref<8x128xf32, #tpu.memory_space<hbm>>
        %dma_wait3A_30 = arith.constant 0 : i32
        %dma_wait3A_31 = arith.constant 128 : i32
        %dma_wait3A_32 = tpu.memref_slice %arg4[%dma_wait3A_30, %dma_wait3A_31] : memref<16x256xf32, #tpu.memory_space<hbm>> -> memref<8x128xf32, #tpu.memory_space<hbm>>
        tpu.wait_dma2 semaphore(%run_scoped3A : memref<!tpu.dma_semaphore, #tpu.memory_space<semaphore_mem>>) src(%arg6 : memref<8x128xf32, #tpu.memory_space<vmem>>) dst(%dma_wait3A_32 : memref<8x128xf32, #tpu.memory_space<hbm>>)
        tpu.yield
      }) : () -> ()
    } else {
    }
    %eq3A_12 = arith.constant 3 : i32
    %eq3A_13 = arith.cmpi eq, %arg1, %eq3A_12 : i32
    %convert_element_type3A_14 = arith.extui %eq3A_13 : i1 to i32
    %cond3A_15 = arith.constant 0 : i32
    %cond3A_16 = arith.cmpi ne, %convert_element_type3A_14, %cond3A_15 : i32
    scf.if %cond3A_16 {
      "tpu.region"() ({
        %run_scoped3A = tpu.sem_alloc : memref<!tpu.dma_semaphore, #tpu.memory_space<semaphore_mem>>
        %dma_start3A_21 = arith.constant 24 : i32
        %dma_start3A_22 = tpu.memref_slice %arg3[%dma_start3A_21] : memref<32xi32, #tpu.memory_space<hbm>> -> memref<8xi32, #tpu.memory_space<hbm>>
        %dma_start3A_23 = arith.constant 24 : i32
        %dma_start3A_24 = tpu.memref_slice %arg3[%dma_start3A_23] : memref<32xi32, #tpu.memory_space<hbm>> -> memref<8xi32, #tpu.memory_space<hbm>>
        tpu.enqueue_dma source(%dma_start3A_24 : memref<8xi32, #tpu.memory_space<hbm>>) target(%arg5 : memref<8xi32, #tpu.memory_space<vmem>>) target_semaphore(%run_scoped3A : memref<!tpu.dma_semaphore, #tpu.memory_space<semaphore_mem>>)
        %dma_wait3A_25 = arith.constant 24 : i32
        %dma_wait3A_26 = tpu.memref_slice %arg3[%dma_wait3A_25] : memref<32xi32, #tpu.memory_space<hbm>> -> memref<8xi32, #tpu.memory_space<hbm>>
        %dma_wait3A_27 = arith.constant 24 : i32
        %dma_wait3A_28 = tpu.memref_slice %arg3[%dma_wait3A_27] : memref<32xi32, #tpu.memory_space<hbm>> -> memref<8xi32, #tpu.memory_space<hbm>>
        tpu.wait_dma2 semaphore(%run_scoped3A : memref<!tpu.dma_semaphore, #tpu.memory_space<semaphore_mem>>) src(%dma_wait3A_28 : memref<8xi32, #tpu.memory_space<hbm>>) dst(%arg5 : memref<8xi32, #tpu.memory_space<vmem>>)
        tpu.yield
      }) : () -> ()
      %dma_start3A = arith.constant 0 : i32
      %dma_start3A_17 = arith.constant 0 : i32
      %dma_start3A_18 = tpu.memref_slice %arg2[%dma_start3A, %dma_start3A_17] : memref<1200x128xf32, #tpu.memory_space<hbm>> -> memref<1200x128xf32, #tpu.memory_space<hbm>>
      tpu.enqueue_indirect_dma source(%dma_start3A_18 : memref<1200x128xf32, #tpu.memory_space<hbm>>) target(%arg6 : memref<8x128xf32, #tpu.memory_space<vmem>>) offsets(%arg5 : memref<8xi32, #tpu.memory_space<vmem>>) semaphore(%arg7 : memref<!tpu.dma_semaphore, #tpu.memory_space<semaphore_mem>>)
      %dma_wait3A = arith.constant 0 : i32
      %dma_wait3A_19 = arith.constant 0 : i32
      %dma_wait3A_20 = tpu.memref_slice %arg2[%dma_wait3A, %dma_wait3A_19] : memref<1200x128xf32, #tpu.memory_space<hbm>> -> memref<1200x128xf32, #tpu.memory_space<hbm>>
      tpu.wait_indirect_dma semaphore(%arg7 : memref<!tpu.dma_semaphore, #tpu.memory_space<semaphore_mem>>) src(%dma_wait3A_20 : memref<1200x128xf32, #tpu.memory_space<hbm>>) dst(%arg6 : memref<8x128xf32, #tpu.memory_space<vmem>>)
      "tpu.region"() ({
        %run_scoped3A = tpu.sem_alloc : memref<!tpu.dma_semaphore, #tpu.memory_space<semaphore_mem>>
        %dma_start3A_21 = arith.constant 8 : i32
        %dma_start3A_22 = arith.constant 128 : i32
        %dma_start3A_23 = tpu.memref_slice %arg4[%dma_start3A_21, %dma_start3A_22] : memref<16x256xf32, #tpu.memory_space<hbm>> -> memref<8x128xf32, #tpu.memory_space<hbm>>
        %dma_start3A_24 = arith.constant 8 : i32
        %dma_start3A_25 = arith.constant 128 : i32
        %dma_start3A_26 = tpu.memref_slice %arg4[%dma_start3A_24, %dma_start3A_25] : memref<16x256xf32, #tpu.memory_space<hbm>> -> memref<8x128xf32, #tpu.memory_space<hbm>>
        tpu.enqueue_dma source(%arg6 : memref<8x128xf32, #tpu.memory_space<vmem>>) target(%dma_start3A_26 : memref<8x128xf32, #tpu.memory_space<hbm>>) target_semaphore(%run_scoped3A : memref<!tpu.dma_semaphore, #tpu.memory_space<semaphore_mem>>)
        %dma_wait3A_27 = arith.constant 8 : i32
        %dma_wait3A_28 = arith.constant 128 : i32
        %dma_wait3A_29 = tpu.memref_slice %arg4[%dma_wait3A_27, %dma_wait3A_28] : memref<16x256xf32, #tpu.memory_space<hbm>> -> memref<8x128xf32, #tpu.memory_space<hbm>>
        %dma_wait3A_30 = arith.constant 8 : i32
        %dma_wait3A_31 = arith.constant 128 : i32
        %dma_wait3A_32 = tpu.memref_slice %arg4[%dma_wait3A_30, %dma_wait3A_31] : memref<16x256xf32, #tpu.memory_space<hbm>> -> memref<8x128xf32, #tpu.memory_space<hbm>>
        tpu.wait_dma2 semaphore(%run_scoped3A : memref<!tpu.dma_semaphore, #tpu.memory_space<semaphore_mem>>) src(%arg6 : memref<8x128xf32, #tpu.memory_space<vmem>>) dst(%dma_wait3A_32 : memref<8x128xf32, #tpu.memory_space<hbm>>)
        tpu.yield
      }) : () -> ()
    } else {
    }
    return
  }
}

module attributes {stable_mosaic.version = 14 : i64} {
  func.func @_add_body(%arg0: i32, %arg1: memref<512x16x256xf32, #tpu.memory_space<vmem>>, %arg2: memref<16x256xf32, #tpu.memory_space<vmem>>, %arg3: memref<512x16x256xf32, #tpu.memory_space<vmem>>) attributes {dimension_semantics = [#tpu.dimension_semantics<parallel>], iteration_bounds = array<i64: 8>, scalar_prefetch = 0 : i64, scratch_operands = 0 : i64, tpu.core_type = #tpu.core_type<tc>, window_params = [{transform_indices = @transform_0, window_bounds = array<i64: 512, 16, 256>}, {pipeline_mode = #tpu.pipeline_mode<synchronous>, transform_indices = @transform_1, window_bounds = array<i64: 16, 256>}, {transform_indices = @transform_2, window_bounds = array<i64: 512, 16, 256>}]} {
    %get3A = arith.constant 0 : index
    %get3A_0 = arith.constant 0 : index
    %get3A_1 = arith.constant 0 : index
    %get3A_2 = vector.load %arg1[%get3A, %get3A_0, %get3A_1] : memref<512x16x256xf32, #tpu.memory_space<vmem>>, vector<512x16x256xf32>
    %get3A_3 = arith.constant 0 : index
    %get3A_4 = arith.constant 0 : index
    %get3A_5 = vector.load %arg2[%get3A_3, %get3A_4] : memref<16x256xf32, #tpu.memory_space<vmem>>, vector<16x256xf32>
    %broadcast_in_dim3A = vector.shape_cast %get3A_5 : vector<16x256xf32> to vector<1x16x256xf32>
    %add3A = vector.broadcast %broadcast_in_dim3A : vector<1x16x256xf32> to vector<512x16x256xf32>
    %add3A_6 = arith.addf %get3A_2, %add3A : vector<512x16x256xf32>
    %swap3A = arith.constant 0 : index
    %swap3A_7 = arith.constant 0 : index
    %swap3A_8 = arith.constant 0 : index
    %swap3A_9 = vector.load %arg3[%swap3A, %swap3A_7, %swap3A_8] : memref<512x16x256xf32, #tpu.memory_space<vmem>>, vector<512x16x256xf32>
    tpu.vector_store %arg3[%swap3A, %swap3A_7, %swap3A_8], %add3A_6 {strides = array<i32>} : memref<512x16x256xf32, #tpu.memory_space<vmem>>, vector<512x16x256xf32>,
    return
  }
  func.func @transform_0(%arg0: i32) -> (i32, i32, i32) {
    %c0_i32 = arith.constant 0 : i32
    %c0_i32_0 = arith.constant 0 : i32
    %c0_i32_1 = arith.constant 0 : i32
    return %arg0, %c0_i32, %c0_i32_0 : i32, i32, i32
  }
  func.func @transform_1(%arg0: i32) -> (i32, i32) {
    %c0_i32 = arith.constant 0 : i32
    %c0_i32_0 = arith.constant 0 : i32
    %c0_i32_1 = arith.constant 0 : i32
    return %c0_i32, %c0_i32_0 : i32, i32
  }
  func.func @transform_2(%arg0: i32) -> (i32, i32, i32) {
    %c0_i32 = arith.constant 0 : i32
    %c0_i32_0 = arith.constant 0 : i32
    %c0_i32_1 = arith.constant 0 : i32
    return %arg0, %c0_i32, %c0_i32_0 : i32, i32, i32
  }
}

</mosaic_0001>

<sc_bundles>
// kernel: kernel.4.cloned.1.call-start
scs
__scs_entry_jumppad:
0x0: {  	(pc) =	sbr.rel $0x88, $3  }
0x1: {  	(tag) =	ssettag $0x0;
	lr =	simm.s32 $0x1  }
0x2: {  	[smem:$0x3F9E] =	sst lr;
	_ =	strace $0xD0000000  }
0x3: {  	_ = 	snop  }
0x4: {  	_ = 	snop  }
0x5: {  	_ = 	snop  }
0x6: {  	_ = 	snop  }
0x7: {  	_ = 	snop  }
__scs_overlays_trampoline_lowered:
0x8: {  	[smem:$0x3FAD] =	sst s0  }
0x9: {  	[smem:$0x3FAE] =	sst s1  }
0xa: {  	[smem:$0x3FAF] =	sst s2  }
0xb: {  	[smem:$0x3FB0] =	sst s3  }
0xc: {  	[smem:$0x3FB1] =	sst s4  }
0xd: {  	[smem:$0x3FB2] =	sst s5  }
0xe: {  	[smem:$0x3FB3] =	sst s6  }
0xf: {  	[smem:$0x3FB4] =	sst s7  }
0x10: {  	[smem:$0x3FB5] =	sst s8  }
0x11: {  	[smem:$0x3FB6] =	sst s9;
	s0 =	simm.s32 @!p0 $0x0  }
0x12: {  	s1 =	sld [smem:$0x3F9C];
	s0 =	simm.s32 @p0 $0x1  }
0x13: {  	[smem:$0x3FB7] =	sst s0;
	s0 =	simm.s32 @!p1 $0x0  }
0x14: {  	s2 =	sld [smem:$0x3F9B];
	s0 =	simm.s32 @p1 $0x1  }
0x15: {  	[smem:$0x3FB8] =	sst s0;
	s0 =	simm.s32 @!p2 $0x0  }
0x16: {  	s3 =	sld [smem:$0x3FDB];
	s0 =	simm.s32 @p2 $0x1  }
0x17: {  	s4 =	simm.s32 $0x1BF5;
	[smem:$0x3FBA] =	sst s0  }
0x18: {  	s0 =	sld [smem:$0x3F9D];
	_ =	swait.ge [sflag:s4], $0x0  }
0x19: {  	s7 =	sld [smem:$0x3F9E]  }
0x1a: {  	s8 =	sadd.s32 $0xFFFFE003, lr  }
0x1b: {  	s9 =	sadd.s32 $0xFFFFFEF7, lr;
	s5 =	simm.s32 $0xFFFFFFFF;
	p2 =	slt.u32 s8, $0xFFFFF086  }
0x1c: {  	p1 =	slt.u32 s9, $0xF7A;
	s5 =	simm.s32 @!p2 $0x0  }
0x1d: {  	s5 =	simm.s32 @p1 $0x1;
	p0 =	seq.s32 s7, s2  }
0x1e: {  	s7 =	smul.u32 @!p0 $0xF7A, s2;
	p2 =	seq.s32 @!p0 s5, $0x0  }
0x1f: {  	s9 =	smul.u32 $0xF7A, s1;
	s8 =	simm.s32 @!p0 $0x1BF5;
	p2 =	por !p2, p0  }
0x20: {  	[sflag:s8] =	ssyncset.s32 @!p0 $0xFFFFF086;
	s6 =	sadd.s32 @!p0 s3, s7;
	s7 =	simm.s32 @!p0 $0x108  }
0x21: {  	s3 =	sadd.s32 s3, s9;
	s6 =	sadd.s32 @!p0 $0x88, s6;
	s7 =	simm.s32 @p2 $0x1082  }
0x22: {  	[simem:s7], [sflag:s8] =	dma.local @!p0 [hbm:s6], $0xF7A  }
0x23: {  	s9 =	sor.u32 $0xD0000000, s2;
	s6 =	simm.s32 $0x108;
	_ =	swait.ge @!p0 [sflag:s8], $0x0  }
0x24: {  	s3 =	sadd.s32 $0x88, s3;
	s6 =	simm.s32 @!p1 $0x1082;
	[sflag:s4] =	ssyncset.s32 $0xFFFFF086  }
0x25: {  	[simem:s6], [sflag:s4] =	dma.local [hbm:s3], $0xF7A  }
0x26: {  	[smem:$0x3F9E] =	sst s1;
	(tag) =	ssettag s2;
	_ =	strace s9  }
0x27: {  	s1 =	sld [smem:$0x3FAE]  }
0x28: {  	s2 =	sld [smem:$0x3FAF]  }
0x29: {  	s4 =	sld [smem:$0x3FB1]  }
0x2a: {  	p0 =	seq.s32 s5, $0x0;
	s5 =	sld [smem:$0x3FB2]  }
0x2b: {  	s6 =	sld [smem:$0x3FB3]  }
0x2c: {  	s7 =	sld [smem:$0x3FB4]  }
0x2d: {  	s3 =	simm.s32 $0x108;
	s8 =	sld [smem:$0x3FB5]  }
0x2e: {  	s3 =	simm.s32 @!p0 $0x1082;
	s9 =	sld [smem:$0x3FB6]  }
0x2f: {  	lr =	sadd.s32 s0, s3;
	s0 =	sld [smem:$0x3FAD]  }
0x30: {  	s3 =	sld [smem:$0x3FB0]  }
0x31: {  	[smem:$0x3FB9] =	sst s10  }
0x32: {  	s10 =	sld [smem:$0x3FB7];
	_ =	sdelay $0x3  }
0x33: {  	p0 =	seq.s32 s10, $0x1;
	s10 =	sld [smem:$0x3FB9];
	_ =	sdelay $0x3  }
0x34: {  	[smem:$0x3FB9] =	sst s10  }
0x35: {  	s10 =	sld [smem:$0x3FB8];
	_ =	sdelay $0x3  }
0x36: {  	p1 =	seq.s32 s10, $0x1;
	s10 =	sld [smem:$0x3FB9];
	_ =	sdelay $0x3  }
0x37: {  	[smem:$0x3FB9] =	sst s10  }
0x38: {  	s10 =	sld [smem:$0x3FBA]  }
0x39: {  	_ = 	snop;
	(pc) =	sbr.ind lr, $3  }
0x3a: {  	_ = 	snop  }
0x3b: {  	_ = 	snop  }
0x3c: {  	p2 =	seq.s32 s10, $0x1;
	s10 =	sld [smem:$0x3FB9]  }
0x3d: {  	_ =	shalt  }
0x3e: {  	_ =	shalt  }
0x3f: {  	_ =	shalt  }
0x40: {  	_ =	shalt  }
0x41: {  	_ =	shalt  }
0x42: {  	_ =	shalt  }
0x43: {  	_ =	shalt  }
0x44: {  	_ =	shalt  }
0x45: {  	_ =	shalt  }
0x46: {  	_ =	shalt  }
0x47: {  	_ =	shalt  }
0x48: {  	_ =	shalt  }
0x49: {  	_ =	shalt  }
0x4a: {  	_ =	shalt  }
0x4b: {  	_ =	shalt  }
0x4c: {  	_ =	shalt  }
0x4d: {  	_ =	shalt  }
0x4e: {  	_ =	shalt  }
0x4f: {  	_ =	shalt  }
0x50: {  	_ =	shalt  }
0x51: {  	_ =	shalt  }
0x52: {  	_ =	shalt  }
0x53: {  	_ =	shalt  }
0x54: {  	_ =	shalt  }
0x55: {  	_ =	shalt  }
0x56: {  	_ =	shalt  }
0x57: {  	_ =	shalt  }
0x58: {  	_ =	shalt  }
0x59: {  	_ =	shalt  }
0x5a: {  	_ =	shalt  }
0x5b: {  	_ =	shalt  }
0x5c: {  	_ =	shalt  }
0x5d: {  	_ =	shalt  }
0x5e: {  	_ =	shalt  }
0x5f: {  	_ =	shalt  }
0x60: {  	_ =	shalt  }
0x61: {  	_ =	shalt  }
0x62: {  	_ =	shalt  }
0x63: {  	_ =	shalt  }
0x64: {  	_ =	shalt  }
0x65: {  	_ =	shalt  }
0x66: {  	_ =	shalt  }
0x67: {  	_ =	shalt  }
0x68: {  	_ =	shalt  }
0x69: {  	_ =	shalt  }
0x6a: {  	_ =	shalt  }
0x6b: {  	_ =	shalt  }
0x6c: {  	_ =	shalt  }
0x6d: {  	_ =	shalt  }
0x6e: {  	_ =	shalt  }
0x6f: {  	_ =	shalt  }
0x70: {  	_ =	shalt  }
0x71: {  	_ =	shalt  }
0x72: {  	_ =	shalt  }
0x73: {  	_ =	shalt  }
0x74: {  	_ =	shalt  }
0x75: {  	_ =	shalt  }
0x76: {  	_ =	shalt  }
0x77: {  	_ =	shalt  }
0x78: {  	_ =	shalt  }
0x79: {  	_ =	shalt  }
0x7a: {  	_ =	shalt  }
0x7b: {  	_ =	shalt  }
0x7c: {  	_ =	shalt  }
0x7d: {  	_ =	shalt  }
0x7e: {  	_ =	shalt  }
0x7f: {  	_ =	shalt  }
0x80: {  	_ =	shalt  }
0x81: {  	_ =	shalt  }
0x82: {  	_ =	shalt  }
0x83: {  	_ =	shalt  }
0x84: {  	_ =	shalt  }
0x85: {  	_ =	shalt  }
0x86: {  	_ =	shalt  }
0x87: {  	_ =	shalt  }
.Lfunc_end0:
.L_simem_size_0:
called_computation_lowered:
.L_overlay_start_0:
0x88: {  	s0 =	sld [smem:$0x3FD9]  }
0x89: {  	s1 =	sld [smem:$0x3FFE];
	_ =	sdelay $0x3  }
0x8a: {  	s0 =	sadd.s32 s1, s0  }
0x8b: {  	[smem:$0x3FC5] =	sst s0  }
0x8c: {  	_ = 	snop  }
0x8d: {  	s0 =	sld [smem:$0x3FC7]  }
0x8e: {  	s16 =	sld [smem:$0x3FD0];
	(tm) =	ssettm $0x1  }
0x8f: {  	s2 =	sld [smem:$0x3FFB];
	_ =	sdelay $0x3  }
0x90: {  	_ =	strace s2  }
0x91: {  	s2 =	sld [smem:$0x3FFC];
	_ =	sdelay $0x3  }
0x92: {  	_ =	strace s2  }
0x93: {  	s2 =	sld [smem:$0x3FFD];
	_ =	sdelay $0x3  }
0x94: {  	_ =	strace s2  }
0x95: {  	_ =	strace $0x8FFFFFFF  }
0x96: {  	s17 =	sld [smem:$0x3FDB];
	_ =	sdelay $0x1  }
0x97: {  	s3 =	simm.s32 $_scs_section_size  }
0x98: {  	s4 =	simm.s32 $_size__tile_overlayer_lowered;
	s5 =	simm.s32 $_tile_overlayer_lowered  }
0x99: {  	s20 =	simm.s32 $0x1BFF;
	s19 =	sshll.u32 s5, $0x1;
	s2 =	sadd.s32 s3, s17  }
0x9a: {  	s6 =	simm.s32 $0x0;
	s18 =	sshll.u32 s4, $0x1;
	s4 =	sadd.s32 s19, s2  }
0x9b: {  	[timem:s6], [sflag:s20] =	dma.local [hbm:s4], s18  }
0x9c: {  	_ =	swait.ge [sflag:s20], s18  }
0x9d: {  	s3 =	ssub.s32 $0x0, s18;
	[sflag:s20] =	ssyncset.done $0x0  }
0x9e: {  	[sflag:s20] =	ssyncadd.s32 s3;
	_ =	sdelay $0x1  }
0x9f: {  	s21 =	simm.s32 $0x1B8B  }
0xa0: {  	_ =	swait.ge [sflag:s21], $0x1  }
0xa1: {  	[sflag:s21] =	ssyncset.done $0x0  }
0xa2: {  	s23 =	simm.s32 $0x1B8E;
	s22 =	sld [smem:$0x3FFE];
	[sflag:s21] =	ssyncadd.s32 $0xFFFFFFFF  }
0xa3: {  	s24 =	simm.s32 $execute0_lowered;
	[smem:$0x3FD2] =	sst s23  }
0xa4: {  	s4 =	sshll.u32 s24, $0x1;
	_ =	strace $0x80000046;
	[dreg:$0x1] =	wrdreg $0xFFFFFFFF  }
0xa5: {  	s25 =	simm.s32 $_size_execute0_lowered;
	s2 =	sadd.s32 s2, s4;
	[dreg:$0x0] =	wrdreg $0x0  }
0xa6: {  	s4 =	sshll.u32 s25, $0x1;
	[dreg:$0x2] =	wrdreg s2  }
0xa7: {  	[dreg:$0x3] =	wrdreg s4  }
0xa8: {  	[dreg:$0x4] =	wrdreg $0xC0  }
0xa9: {  	_ =	task [dreg:s6], $0x5FFFF  }
0xaa: {  	[dreg:$0x1] =	wrdreg $0xFFFFFFFF  }
0xab: {  	[dreg:$0x0] =	wrdreg $0x60  }
0xac: {  	[dreg:$0x2] =	wrdreg s0  }
0xad: {  	[dreg:$0x3] =	wrdreg s22  }
0xae: {  	[dreg:$0x4] =	wrdreg s16  }
0xaf: {  	[dreg:$0x5] =	wrdreg $0x9  }
0xb0: {  	_ =	task.clear_ibuf [dreg:s6], $0x6FFFF;
	_ =	strace $0x90000046  }
0xb1: {  	s26 =	simm.s32 $0x9;
	_ =	strace $0x80000048  }
0xb2: {  	_ =	swait.ge [sflag:s26], $0x1  }
0xb3: {  	[sflag:s26] =	ssyncadd.s32 $0xFFFFFFFF  }
0xb4: {  	_ =	strace $0x90000048  }
0xb5: {  	_ =	sfence  }
0xb6: {  	s28 =	sld [smem:$0x0];
	_ =	sdelay $0x1  }
0xb7: {  	s29 =	srdreg.scid  }
0xb8: {  	s30 =	sshll.u32 s29, $0xD;
	s31 =	sshrl.u32 s29, $0x2  }
0xb9: {  	s1 =	sand.u32 $0x1, s29;
	s2 =	sand.u32 $0x4000, s30;
	s0 =	sadd.s32 s31, s28  }
0xba: {  	s1 =	sor.u32 s2, s1;
	s0 =	sshll.u32 s0, $0x11  }
0xbb: {  	s0 =	sor.u32 s0, s1  }
0xbc: {  	s0 =	sadd.s32 $0x8F2B, s0  }
0xbd: {  	[sflag:s0] =	ssyncadd.remote.s32 $0x1  }
0xbe: {  	_ =	sfence.sel $0xFFFF  }
0xbf: {  	[dreg:$0x0] =	wrdreg $0xFFFFFFFF;
	(pc) =	sbr.abs _section_cstart, $3  }
0xc0: {  	[dreg:$0x1] =	wrdreg $0xFFFFFFFF  }
0xc1: {  	_ =	task.clear_ibuf [dreg:s6], $0x2FFFF;
	_ =	strace $0x9FFFFFFF  }
0xc2: {  	(tm) =	ssettm $0x7FFFFFFF  }
0xc3: {  	_ =	shalt  }
tec
execute0_lowered:
.L_overlay_start_1:
0x0: {  	(tag) =	ssettag $0x1  }
0x1: {  	s1 =	stileid.u32  }
0x2: {  	p0 =	sgt.s32 s1, $0x1  }
.Ltmp0:
0x3: {  	s3 =	rddreg [dreg:$0x0];
	(pc) =	sbr.rel @p0 .LBB2_4-.Ltmp0, $4  }
0x4: {  	s4 =	rddreg [dreg:$0x1]  }
0x5: {  	s2 =	rddreg [dreg:$0x2];
	s5 =	simm.s32 $0x0  }
0x6: {  	[smem:$0x7FF] =	sst s5  }
0x7: {  	s0 =	rddreg [dreg:$0x3];
	s4 =	sadd.s32 $0x600, s4;
	_ =	strace $0x80000047  }
0x8: {  	p0 =	seq.s32 s1, $0x0  }
.Ltmp1:
0x9: {  	_ = 	snop;
	(pc) =	sbr.rel @p0 .LBB2_7-.Ltmp1, $1  }
0xa: {  	_ =	sdelay $0x3  }
0xb: {  	p0 =	seq.s32 s1, $0x1  }
.Ltmp2:
0xc: {  	_ = 	snop;
	(pc) =	sbr.rel @!p0 .LBB2_10-.Ltmp2, $1  }
0xd: {  	_ =	sdelay $0x3  }
0xe: {  	s4 =	sadd.s32 $0x1, s4;
	s5 =	simm.s32 $0x0;
	s29 =	simm.s32 $0x2  }
0xf: {  	[tilespmem:s5], [sflag:$0x2] =	stream.linear.gather [hbm4b:s4+s5], $0x8, $0x38;
	[tilespmem:$0x480] =	vst v63  }
0x10: {  	_ =	swait.ge [sflag:s29], $0x8  }
0x11: {  	[sflag:s29] =	ssyncset.done $0x0  }
0x12: {  	s30 =	simm.s32 $0x8;
	s6 =	simm.s32 $0x80;
	[sflag:s29] =	ssyncadd.s32 $0xFFFFFFF8  }
0x13: {  	[tilespmem:s6], [sflag:$0x1] =	stream.indirect.gather [hbm4b:s3+s30], $0x80, s5, s30, $0xb8;
	[tilespmem:$0x480] =	vst v63  }
.Ltmp3:
0x14: {  	s31 =	simm.s32 $0x1;
	(pc) =	sbr.rel .LBB2_9-.Ltmp3, $4  }
0x15: {  	_ =	swait.ge [sflag:s31], $0x400  }
0x16: {  	[sflag:s31] =	ssyncset.done $0x0  }
0x17: {  	s2 =	sadd.s32 $0x100, s2;
	[sflag:s31] =	ssyncadd.s32 $0xFFFFFC00  }
0x18: {  	[hbm4b:s2+s5] =	stream.linear.scatter [tilespmem:s6], [sflag:$0x2], $0x400, $0x38;
	[tilespmem:$0x480] =	vst v63  }
.LBB2_4:
0x19: {  	p0 =	seq.s32 s1, $0x2  }
.Ltmp4:
0x1a: {  	_ = 	snop;
	(pc) =	sbr.rel @p0 .LBB2_8-.Ltmp4, $1  }
0x1b: {  	_ =	sdelay $0x3  }
0x1c: {  	p0 =	seq.s32 s1, $0x3  }
.Ltmp5:
0x1d: {  	_ = 	snop;
	(pc) =	sbr.rel @!p0 .LBB2_10-.Ltmp5, $1  }
0x1e: {  	_ =	sdelay $0x3  }
0x1f: {  	s4 =	sadd.s32 $0x3, s4;
	s5 =	simm.s32 $0x0;
	s29 =	simm.s32 $0x2  }
0x20: {  	[tilespmem:s5], [sflag:$0x2] =	stream.linear.gather [hbm4b:s4+s5], $0x8, $0x38;
	[tilespmem:$0x480] =	vst v63  }
0x21: {  	_ =	swait.ge [sflag:s29], $0x8  }
0x22: {  	[sflag:s29] =	ssyncset.done $0x0  }
0x23: {  	s30 =	simm.s32 $0x8;
	s6 =	simm.s32 $0x80;
	[sflag:s29] =	ssyncadd.s32 $0xFFFFFFF8  }
0x24: {  	[tilespmem:s6], [sflag:$0x1] =	stream.indirect.gather [hbm4b:s3+s30], $0x80, s5, s30, $0xb8;
	[tilespmem:$0x480] =	vst v63  }
.Ltmp6:
0x25: {  	s31 =	simm.s32 $0x1;
	(pc) =	sbr.rel .LBB2_9-.Ltmp6, $4  }
0x26: {  	_ =	swait.ge [sflag:s31], $0x400  }
0x27: {  	[sflag:s31] =	ssyncset.done $0x0  }
0x28: {  	s2 =	sadd.s32 $0x180, s2;
	[sflag:s31] =	ssyncadd.s32 $0xFFFFFC00  }
0x29: {  	[hbm4b:s2+s5] =	stream.linear.scatter [tilespmem:s6], [sflag:$0x2], $0x400, $0x38;
	[tilespmem:$0x480] =	vst v63  }
.LBB2_7:
0x2a: {  	s5 =	simm.s32 $0x0;
	s29 =	simm.s32 $0x2  }
0x2b: {  	[tilespmem:s5], [sflag:$0x2] =	stream.linear.gather [hbm4b:s4+s5], $0x8, $0x38;
	[tilespmem:$0x480] =	vst v63  }
0x2c: {  	_ =	swait.ge [sflag:s29], $0x8  }
0x2d: {  	[sflag:s29] =	ssyncset.done $0x0  }
0x2e: {  	s30 =	simm.s32 $0x8;
	s6 =	simm.s32 $0x80;
	[sflag:s29] =	ssyncadd.s32 $0xFFFFFFF8  }
0x2f: {  	[tilespmem:s6], [sflag:$0x1] =	stream.indirect.gather [hbm4b:s3+s30], $0x80, s5, s30, $0xb8;
	[tilespmem:$0x480] =	vst v63  }
.Ltmp7:
0x30: {  	s31 =	simm.s32 $0x1;
	(pc) =	sbr.rel .LBB2_9-.Ltmp7, $4  }
0x31: {  	_ =	swait.ge [sflag:s31], $0x400  }
0x32: {  	[sflag:s31] =	ssyncset.done $0x0  }
0x33: {  	[sflag:s31] =	ssyncadd.s32 $0xFFFFFC00  }
0x34: {  	[hbm4b:s2+s5] =	stream.linear.scatter [tilespmem:s6], [sflag:$0x2], $0x400, $0x38;
	[tilespmem:$0x480] =	vst v63  }
.LBB2_8:
0x35: {  	s4 =	sadd.s32 $0x2, s4;
	s5 =	simm.s32 $0x0;
	s29 =	simm.s32 $0x2  }
0x36: {  	[tilespmem:s5], [sflag:$0x2] =	stream.linear.gather [hbm4b:s4+s5], $0x8, $0x38;
	[tilespmem:$0x480] =	vst v63  }
0x37: {  	_ =	swait.ge [sflag:s29], $0x8  }
0x38: {  	s30 =	simm.s32 $0x8;
	[sflag:s29] =	ssyncset.done $0x0  }
0x39: {  	s6 =	simm.s32 $0x80;
	s31 =	simm.s32 $0x1;
	[sflag:s29] =	ssyncadd.s32 $0xFFFFFFF8  }
0x3a: {  	[tilespmem:s6], [sflag:$0x1] =	stream.indirect.gather [hbm4b:s3+s30], $0x80, s5, s30, $0xb8;
	[tilespmem:$0x480] =	vst v63  }
0x3b: {  	_ =	swait.ge [sflag:s31], $0x400  }
0x3c: {  	[sflag:s31] =	ssyncset.done $0x0  }
0x3d: {  	s2 =	sadd.s32 $0x80, s2;
	[sflag:s31] =	ssyncadd.s32 $0xFFFFFC00  }
0x3e: {  	[hbm4b:s2+s5] =	stream.linear.scatter [tilespmem:s6], [sflag:$0x2], $0x400, $0x38;
	[tilespmem:$0x480] =	vst v63  }
.LBB2_9:
0x3f: {  	s2 =	simm.s32 $0x2  }
0x40: {  	_ =	swait.ge [sflag:s2], $0x400  }
0x41: {  	[sflag:s2] =	ssyncset.done $0x0  }
0x42: {  	[sflag:s2] =	ssyncadd.s32 $0xFFFFFC00  }
.LBB2_10:
0x43: {  	_ =	sfence.sel $0x180000  }
0x44: {  	[bflag:$0x0] =	sbarrier.arrive $0xFFFF  }
0x45: {  	p0 =	sne.s32 s1, $0x0;
	_ =	strace $0x90000047  }
0x46: {  	s0 =	sadd.s32 @!p0 $0x100000, s0;
	[bflag:$0x2] =	sbarrier.arrive $0xFFFF  }
0x47: {  	[sflag:s0] =	ssyncadd.tile.s32 @!p0 $0x1;
	_ =	shalt  }
.Lfunc_end2:
_tile_overlayer_lowered:
.L_overlay_start_2:
0x48: {  	(tag) =	ssettag $0x2  }
0x49: {  	s0 =	rddreg [dreg:$0x0];
	s2 =	stileid.u32  }
0x4a: {  	s1 =	rddreg [dreg:$0x1];
	p0 =	sne.s32 s2, $0x0  }
0x4b: {  	s3 =	rddreg [dreg:$0x2];
	[bflag:$0x3] =	sbarrier.arrive $0xFFFF;
	s2 =	simm.s32 @!p0 $0x1C02  }
0x4c: {  	[timem:s3], [sflag:s2] =	dma.local @!p0 [hbm:s0], s1  }
0x4d: {  	s0 =	simm.s32 @!p0 $0x2  }
0x4e: {  	_ =	swait.ge @!p0 [sflag:s0], s1  }
0x4f: {  	s1 =	ssub.s32 @!p0 $0x0, s1;
	[sflag:s0] =	ssyncset.done @!p0 $0x0  }
0x50: {  	[sflag:s0] =	ssyncadd.s32 @!p0 s1  }
0x51: {  	[bflag:$0x3] =	sbarrier.arrive $0xFFFF  }
0x52: {  	_ =	shalt  }

</sc_bundles>
